<compile_context>
chip_gen: v7x
topology: tpu7x:2x2x1
jax: 0.10.2.dev20260603
libtpu: 0.0.44.dev20260713+nightly
codegen_flags: <defaults>
</compile_context>

<pallas_src>
import functools

import jax
import jax.numpy as jnp
from jax import lax
from jax.experimental import pallas as pl
from jax.experimental.pallas import tpu as pltpu
from jax.experimental.pallas import tpu_sc as plsc

VOCAB = 1_000_000
EMB = 64
TOPICS = 64
BATCH = 4096
FLAT = 2 * BATCH

ROW_TILE = 20_000
HALF_TILE = ROW_TILE // 2
GRID = VOCAB // ROW_TILE


@functools.cache
def _make_gather():
    info = plsc.get_sparse_core_info()
    nc, ns = info.num_cores, info.num_subcores
    nw = nc * ns
    bpw = FLAT // nw
    mesh = plsc.VectorSubcoreMesh(core_axis_name="c", subcore_axis_name="s")

    @functools.partial(
        pl.kernel,
        mesh=mesh,
        out_type=jax.ShapeDtypeStruct((FLAT, 2 * EMB), jnp.float32),
        scratch_types=[
            pltpu.VMEM((bpw,), jnp.int32),
            pltpu.VMEM((bpw, 2 * EMB), jnp.float32),
            pltpu.SemaphoreType.DMA,
        ],
    )
    def gather_rows(table_hbm, idx_hbm, out_hbm, idx_v, rows_v, sem):
        wid = lax.axis_index("s") * nc + lax.axis_index("c")
        base = wid * bpw
        pltpu.sync_copy(idx_hbm.at[pl.ds(base, bpw)], idx_v)
        pltpu.async_copy(table_hbm.at[idx_v], rows_v, sem).wait()
        pltpu.sync_copy(rows_v, out_hbm.at[pl.ds(base, bpw)])

    return gather_rows


def _stats_body(rho_ref, wa_ref, pk_ref, s_ref, sacc_ref):
    i = pl.program_id(0)

    @pl.when(i == 0)
    def _():
        sacc_ref[...] = jnp.zeros((1, 2 * TOPICS), jnp.float32)

    ta = jnp.dot(rho_ref[:HALF_TILE, :], wa_ref[...],
                 preferred_element_type=jnp.float32)
    tb = jnp.dot(rho_ref[HALF_TILE:, :], wa_ref[...],
                 preferred_element_type=jnp.float32)
    t = jnp.concatenate([ta, tb], axis=1)
    pk_ref[...] = t
    sacc_ref[...] += jnp.sum(jnp.exp(t), axis=0, keepdims=True)

    @pl.when(i == GRID - 1)
    def _():
        s_ref[0:1, :] = sacc_ref[...]


def _softmax_stats(rho, Wa):
    return pl.pallas_call(
        _stats_body,
        grid=(GRID,),
        in_specs=[
            pl.BlockSpec((ROW_TILE, EMB), lambda i: (i, 0)),
            pl.BlockSpec((EMB, TOPICS), lambda i: (0, 0)),
        ],
        out_specs=[
            pl.BlockSpec((HALF_TILE, 2 * TOPICS), lambda i: (i, 0)),
            pl.BlockSpec((8, 2 * TOPICS), lambda i: (0, 0)),
        ],
        out_shape=[
            jax.ShapeDtypeStruct((VOCAB // 2, 2 * TOPICS), jnp.float32),
            jax.ShapeDtypeStruct((8, 2 * TOPICS), jnp.float32),
        ],
        scratch_shapes=[pltpu.VMEM((1, 2 * TOPICS), jnp.float32)],
    )(rho, Wa)


def _final_body(bit_ref, w1_ref, b1_ref, w2_ref, b2_ref, wmu_ref, bmu_ref,
                wls_ref, bls_ref, rows_ref, odd_ref, ms_ref,
                recon_ref, kld_ref):
    f32 = jnp.float32
    h1 = jnp.tanh(jnp.dot(bit_ref[...], w1_ref[...],
                          preferred_element_type=f32) + b1_ref[...])
    h2 = jnp.tanh(jnp.dot(h1, w2_ref[...],
                          preferred_element_type=f32) + b2_ref[...])
    mu = jnp.dot(h2, wmu_ref[...], preferred_element_type=f32) + bmu_ref[...]
    ls = jnp.dot(h2, wls_ref[...], preferred_element_type=f32) + bls_ref[...]

    kld_terms = jnp.sum(1.0 + ls - mu * mu - jnp.exp(ls), axis=1,
                        keepdims=True)
    kld = -0.5 * (jnp.sum(kld_terms) / BATCH)

    mu_max = jnp.max(mu, axis=1, keepdims=True)
    e = jnp.exp(mu - mu_max)
    theta = e / jnp.sum(e, axis=1, keepdims=True)

    s = ms_ref[0:1, :TOPICS] + ms_ref[0:1, TOPICS:]
    lg = jnp.where(odd_ref[...] > 0.5,
                   rows_ref[:, TOPICS:], rows_ref[:, :TOPICS])
    beta = jnp.exp(lg) / s
    temp = beta[:BATCH, :] * beta[BATCH:, :]

    res = jnp.sum(theta * theta * temp, axis=1, keepdims=True)
    recon = jnp.sum(jnp.log(res + 1e-06)) / BATCH

    recon_ref[0, 0] = recon
    kld_ref[0, 0] = kld


def _decode_losses(biterms, W1, b1, W2, b2, Wmu, bmu, Wls, bls, rows, odd,
                   ms):
    return pl.pallas_call(
        _final_body,
        out_shape=[jax.ShapeDtypeStruct((1, 1), jnp.float32),
                   jax.ShapeDtypeStruct((1, 1), jnp.float32)],
        out_specs=[pl.BlockSpec(memory_space=pltpu.SMEM),
                   pl.BlockSpec(memory_space=pltpu.SMEM)],
    )(biterms, W1, b1.reshape(1, -1), W2, b2.reshape(1, -1),
      Wmu, bmu.reshape(1, -1), Wls, bls.reshape(1, -1), rows, odd, ms)


def kernel(bi_idx, biterms, rho, Wa, W1, b1, W2, b2, Wmu, bmu, Wls, bls):
    v = jnp.concatenate([bi_idx[:, 0], bi_idx[:, 1]]).astype(jnp.int32)
    tile = v // ROW_TILE
    local = v - tile * ROW_TILE
    upper = (local >= HALF_TILE).astype(jnp.int32)
    prow = tile * HALF_TILE + local - upper * HALF_TILE
    odd = upper.astype(jnp.float32).reshape(FLAT, 1)
    pk, ms = _softmax_stats(rho, Wa)
    rows = _make_gather()(pk, prow)
    recon, kld = _decode_losses(biterms, W1, b1, W2, b2, Wmu, bmu, Wls, bls,
                                rows, odd, ms)
    return recon[0, 0], kld[0, 0]

# --- scband reference (transcript-rebuilt; emitter-appended) ---
"""Pipeline reference for scband-tfebtm-74380243632188 (READ-ONLY COPY).

The authoritative reference and input builder live on the scoring server;
editing this copy changes nothing except your own understanding.
"""

import jax, jax.numpy as jnp
import numpy as np

VOCAB = 1000000
EMB = 64
TOPICS = 64
HIDDEN = 256
BATCH = 4096


def setup_inputs(seed: int = 0) -> dict:
    key = jax.random.key(seed)
    ks = jax.random.split(key, 12)
    bi_idx = jax.random.randint(ks[0], (BATCH, 2), 0, VOCAB, dtype=jnp.int64 if jax.config.jax_enable_x64 else jnp.int32)
    biterms = jax.random.normal(ks[1], (BATCH, EMB), dtype=jnp.float32)
    rho = jax.random.normal(ks[2], (VOCAB, EMB), dtype=jnp.float32) * 0.02
    Wa = jax.random.normal(ks[3], (EMB, TOPICS), dtype=jnp.float32) * (1.0 / np.sqrt(EMB))
    W1 = jax.random.normal(ks[4], (EMB, HIDDEN), dtype=jnp.float32) * (1.0 / np.sqrt(EMB))
    b1 = jnp.zeros((HIDDEN,), dtype=jnp.float32)
    W2 = jax.random.normal(ks[5], (HIDDEN, HIDDEN), dtype=jnp.float32) * (1.0 / np.sqrt(HIDDEN))
    b2 = jnp.zeros((HIDDEN,), dtype=jnp.float32)
    Wmu = jax.random.normal(ks[6], (HIDDEN, TOPICS), dtype=jnp.float32) * (1.0 / np.sqrt(HIDDEN))
    bmu = jnp.zeros((TOPICS,), dtype=jnp.float32)
    Wls = jax.random.normal(ks[7], (HIDDEN, TOPICS), dtype=jnp.float32) * (1.0 / np.sqrt(HIDDEN))
    bls = jnp.zeros((TOPICS,), dtype=jnp.float32)
    return {"bi_idx": bi_idx, "biterms": biterms, "rho": rho, "Wa": Wa,
            "W1": W1, "b1": b1, "W2": W2, "b2": b2,
            "Wmu": Wmu, "bmu": bmu, "Wls": Wls, "bls": bls}


def reference(bi_idx, biterms, rho, Wa, W1, b1, W2, b2, Wmu, bmu, Wls, bls):
    # encode (eval mode: no dropout, gaussian() returns mu)
    h1 = jnp.tanh(biterms @ W1 + b1)
    h2 = jnp.tanh(h1 @ W2 + b2)
    mu_theta = h2 @ Wmu + bmu
    logsigma_theta = h2 @ Wls + bls
    kld_theta = -0.5 * jnp.mean(
        jnp.sum(1.0 + logsigma_theta - jnp.power(mu_theta, 2) - jnp.exp(logsigma_theta), axis=-1))
    theta = jax.nn.softmax(mu_theta, axis=-1)
    # get_beta: logit = alphas(rho); beta = softmax(logit, axis=0).T; decode receives beta.T
    logit = rho @ Wa                      # [VOCAB, TOPICS]
    transposed_beta = jax.nn.softmax(logit, axis=0)  # [VOCAB, TOPICS] == tf.transpose(beta)
    # selected_production: gather rows for each biterm pair and multiply elementwise
    temp = jnp.take(transposed_beta, bi_idx[:, 0], axis=0) * jnp.take(transposed_beta, bi_idx[:, 1], axis=0)
    res = jnp.sum(jnp.power(theta, 2) * temp, axis=1)
    preds = jnp.log(res + 1e-06)
    recon_loss = jnp.mean(preds)
    return (recon_loss, kld_theta)

if __name__ == "__main__":
    import jax
    _d = setup_inputs()
    print(jax.jit(kernel)(*tuple(_d.values())))

</pallas_src>

<mosaic_0001>
#map = affine_map<(d0, d1) -> (0, 0)>
#map1 = affine_map<(d0, d1) -> (0)>
module attributes {stable_mosaic.version = 14 : i64} {
  func.func @gather_rows(%arg0: i32, %arg1: i32, %arg2: memref<500000x128xf32, #tpu.memory_space<hbm>>, %arg3: memref<8192xi32, #tpu.memory_space<hbm>>, %arg4: memref<8192x128xf32, #tpu.memory_space<hbm>>, %arg5: memref<256xi32, #tpu.memory_space<vmem>>, %arg6: memref<256x128xf32, #tpu.memory_space<vmem>>, %arg7: memref<!tpu.dma_semaphore, #tpu.memory_space<semaphore_mem>>) attributes {dimension_semantics = [#tpu.dimension_semantics<core_parallel>, #tpu.dimension_semantics<subcore_parallel>], iteration_bounds = array<i64: 2, 16>, scalar_prefetch = 0 : i64, scratch_operands = 3 : i64, tpu.core_type = #tpu.core_type<sc_vector_subcore>, window_params = [{transform_indices = #map}, {transform_indices = #map1}, {transform_indices = #map}]} {
    %mul3A = arith.constant 2 : i32
    %mul3A_0 = arith.muli %arg1, %mul3A : i32
    %add3A = arith.addi %mul3A_0, %arg0 : i32
    %mul3A_1 = arith.constant 256 : i32
    %mul3A_2 = arith.muli %add3A, %mul3A_1 : i32
    "tpu.region"() ({
      %run_scoped3A = tpu.sem_alloc : memref<!tpu.dma_semaphore, #tpu.memory_space<semaphore_mem>>
      %dma_start3A_7 = tpu.memref_slice %arg3[%mul3A_2] : memref<8192xi32, #tpu.memory_space<hbm>> -> memref<256xi32, #tpu.memory_space<hbm>>
      %dma_start3A_8 = tpu.memref_slice %arg3[%mul3A_2] : memref<8192xi32, #tpu.memory_space<hbm>> -> memref<256xi32, #tpu.memory_space<hbm>>
      tpu.enqueue_dma source(%dma_start3A_8 : memref<256xi32, #tpu.memory_space<hbm>>) target(%arg5 : memref<256xi32, #tpu.memory_space<vmem>>) target_semaphore(%run_scoped3A : memref<!tpu.dma_semaphore, #tpu.memory_space<semaphore_mem>>)
      %dma_wait3A_9 = tpu.memref_slice %arg3[%mul3A_2] : memref<8192xi32, #tpu.memory_space<hbm>> -> memref<256xi32, #tpu.memory_space<hbm>>
      %dma_wait3A_10 = tpu.memref_slice %arg3[%mul3A_2] : memref<8192xi32, #tpu.memory_space<hbm>> -> memref<256xi32, #tpu.memory_space<hbm>>
      tpu.wait_dma2 semaphore(%run_scoped3A : memref<!tpu.dma_semaphore, #tpu.memory_space<semaphore_mem>>) src(%dma_wait3A_10 : memref<256xi32, #tpu.memory_space<hbm>>) dst(%arg5 : memref<256xi32, #tpu.memory_space<vmem>>)
      tpu.yield
    }) : () -> ()
    %dma_start3A = arith.constant 0 : i32
    %dma_start3A_3 = arith.constant 0 : i32
    %dma_start3A_4 = tpu.memref_slice %arg2[%dma_start3A, %dma_start3A_3] : memref<500000x128xf32, #tpu.memory_space<hbm>> -> memref<500000x128xf32, #tpu.memory_space<hbm>>
    tpu.enqueue_indirect_dma source(%dma_start3A_4 : memref<500000x128xf32, #tpu.memory_space<hbm>>) target(%arg6 : memref<256x128xf32, #tpu.memory_space<vmem>>) offsets(%arg5 : memref<256xi32, #tpu.memory_space<vmem>>) semaphore(%arg7 : memref<!tpu.dma_semaphore, #tpu.memory_space<semaphore_mem>>)
    %dma_wait3A = arith.constant 0 : i32
    %dma_wait3A_5 = arith.constant 0 : i32
    %dma_wait3A_6 = tpu.memref_slice %arg2[%dma_wait3A, %dma_wait3A_5] : memref<500000x128xf32, #tpu.memory_space<hbm>> -> memref<500000x128xf32, #tpu.memory_space<hbm>>
    tpu.wait_indirect_dma semaphore(%arg7 : memref<!tpu.dma_semaphore, #tpu.memory_space<semaphore_mem>>) src(%dma_wait3A_6 : memref<500000x128xf32, #tpu.memory_space<hbm>>) dst(%arg6 : memref<256x128xf32, #tpu.memory_space<vmem>>)
    "tpu.region"() ({
      %run_scoped3A = tpu.sem_alloc : memref<!tpu.dma_semaphore, #tpu.memory_space<semaphore_mem>>
      %dma_start3A_7 = arith.constant 0 : i32
      %dma_start3A_8 = tpu.memref_slice %arg4[%mul3A_2, %dma_start3A_7] : memref<8192x128xf32, #tpu.memory_space<hbm>> -> memref<256x128xf32, #tpu.memory_space<hbm>>
      %dma_start3A_9 = arith.constant 0 : i32
      %dma_start3A_10 = tpu.memref_slice %arg4[%mul3A_2, %dma_start3A_9] : memref<8192x128xf32, #tpu.memory_space<hbm>> -> memref<256x128xf32, #tpu.memory_space<hbm>>
      tpu.enqueue_dma source(%arg6 : memref<256x128xf32, #tpu.memory_space<vmem>>) target(%dma_start3A_10 : memref<256x128xf32, #tpu.memory_space<hbm>>) target_semaphore(%run_scoped3A : memref<!tpu.dma_semaphore, #tpu.memory_space<semaphore_mem>>)
      %dma_wait3A_11 = arith.constant 0 : i32
      %dma_wait3A_12 = tpu.memref_slice %arg4[%mul3A_2, %dma_wait3A_11] : memref<8192x128xf32, #tpu.memory_space<hbm>> -> memref<256x128xf32, #tpu.memory_space<hbm>>
      %dma_wait3A_13 = arith.constant 0 : i32
      %dma_wait3A_14 = tpu.memref_slice %arg4[%mul3A_2, %dma_wait3A_13] : memref<8192x128xf32, #tpu.memory_space<hbm>> -> memref<256x128xf32, #tpu.memory_space<hbm>>
      tpu.wait_dma2 semaphore(%run_scoped3A : memref<!tpu.dma_semaphore, #tpu.memory_space<semaphore_mem>>) src(%arg6 : memref<256x128xf32, #tpu.memory_space<vmem>>) dst(%dma_wait3A_14 : memref<256x128xf32, #tpu.memory_space<hbm>>)
      tpu.yield
    }) : () -> ()
    return
  }
}

module attributes {stable_mosaic.version = 14 : i64} {
  func.func @_stats_body(%arg0: i32, %arg1: memref<20000x64xf32, #tpu.memory_space<vmem>>, %arg2: memref<64x64xf32, #tpu.memory_space<vmem>>, %arg3: memref<10000x128xf32, #tpu.memory_space<vmem>>, %arg4: memref<8x128xf32, #tpu.memory_space<vmem>>, %arg5: memref<1x128xf32, #tpu.memory_space<vmem>>) attributes {dimension_semantics = [#tpu.dimension_semantics<arbitrary>], iteration_bounds = array<i64: 50>, scalar_prefetch = 0 : i64, scratch_operands = 1 : i64, tpu.core_type = #tpu.core_type<tc>, window_params = [{transform_indices = @transform_0, window_bounds = array<i64: 20000, 64>}, {pipeline_mode = #tpu.pipeline_mode<synchronous>, transform_indices = @transform_1, window_bounds = array<i64: 64, 64>}, {transform_indices = @transform_2, window_bounds = array<i64: 10000, 128>}, {pipeline_mode = #tpu.pipeline_mode<synchronous>, transform_indices = @transform_3, window_bounds = array<i64: 8, 128>}]} {
    %eq3A = arith.constant 0 : i32
    %eq3A_0 = arith.cmpi eq, %arg0, %eq3A : i32
    %convert_element_type3A = arith.extui %eq3A_0 : i1 to i32
    %cond3A = arith.constant 0 : i32
    %cond3A_1 = arith.cmpi ne, %convert_element_type3A, %cond3A : i32
    scf.if %cond3A_1 {
      %broadcast_in_dim3A_30 = arith.constant 0.000000e+00 : f32
      %broadcast_in_dim3A_31 = vector.broadcast %broadcast_in_dim3A_30 : f32 to vector<1x128xf32>
      %swap3A_32 = arith.constant 0 : index
      %swap3A_33 = arith.constant 0 : index
      %swap3A_34 = vector.load %arg5[%swap3A_32, %swap3A_33] : memref<1x128xf32, #tpu.memory_space<vmem>>, vector<1x128xf32>
      tpu.vector_store %arg5[%swap3A_32, %swap3A_33], %broadcast_in_dim3A_31 {strides = array<i32>} : memref<1x128xf32, #tpu.memory_space<vmem>>, vector<1x128xf32>,
    } else {
    }
    %get3A = arith.constant 0 : index
    %get3A_2 = arith.constant 0 : index
    %get3A_3 = vector.load %arg1[%get3A, %get3A_2] : memref<20000x64xf32, #tpu.memory_space<vmem>>, vector<10000x64xf32>
    %get3A_4 = arith.constant 0 : index
    %get3A_5 = arith.constant 0 : index
    %get3A_6 = vector.load %arg2[%get3A_4, %get3A_5] : memref<64x64xf32, #tpu.memory_space<vmem>>, vector<64x64xf32>
    %dot_general3A = arith.constant dense<0.000000e+00> : vector<10000x64xf32>
    %dot_general3A_7 = tpu.matmul %get3A_3, %get3A_6, %dot_general3A {dimension_numbers = #tpu.dot_dimension_numbers<[1], [0], [0], [1], [0, 0, 1, 1], [], []>, transpose_lhs_hint = false} : vector<10000x64xf32>, vector<64x64xf32>, vector<10000x64xf32> -> vector<10000x64xf32>
    %get3A_8 = arith.constant 10000 : index
    %get3A_9 = arith.constant 0 : index
    %get3A_10 = vector.load %arg1[%get3A_8, %get3A_9] : memref<20000x64xf32, #tpu.memory_space<vmem>>, vector<10000x64xf32>
    %get3A_11 = arith.constant 0 : index
    %get3A_12 = arith.constant 0 : index
    %get3A_13 = vector.load %arg2[%get3A_11, %get3A_12] : memref<64x64xf32, #tpu.memory_space<vmem>>, vector<64x64xf32>
    %dot_general3A_14 = arith.constant dense<0.000000e+00> : vector<10000x64xf32>
    %dot_general3A_15 = tpu.matmul %get3A_10, %get3A_13, %dot_general3A_14 {dimension_numbers = #tpu.dot_dimension_numbers<[1], [0], [0], [1], [0, 0, 1, 1], [], []>, transpose_lhs_hint = false} : vector<10000x64xf32>, vector<64x64xf32>, vector<10000x64xf32> -> vector<10000x64xf32>
    %concatenate3A = tpu.concatenate %dot_general3A_7, %dot_general3A_15 in 1 : vector<10000x64xf32>, vector<10000x64xf32> -> vector<10000x128xf32>
    %swap3A = arith.constant 0 : index
    %swap3A_16 = arith.constant 0 : index
    %swap3A_17 = vector.load %arg3[%swap3A, %swap3A_16] : memref<10000x128xf32, #tpu.memory_space<vmem>>, vector<10000x128xf32>
    tpu.vector_store %arg3[%swap3A, %swap3A_16], %concatenate3A {strides = array<i32>} : memref<10000x128xf32, #tpu.memory_space<vmem>>, vector<10000x128xf32>,
    %get3A_18 = arith.constant 0 : index
    %get3A_19 = arith.constant 0 : index
    %get3A_20 = vector.load %arg5[%get3A_18, %get3A_19] : memref<1x128xf32, #tpu.memory_space<vmem>>, vector<1x128xf32>
    %exp3A = math.exp %concatenate3A : vector<10000x128xf32>
    %reduce_sum3A = arith.constant dense<0.000000e+00> : vector<128xf32>
    %reduce_sum3A_21 = vector.multi_reduction <add>, %exp3A, %reduce_sum3A [0] : vector<10000x128xf32> to vector<128xf32>
    %broadcast_in_dim3A = vector.shape_cast %reduce_sum3A_21 : vector<128xf32> to vector<1x128xf32>
    %add3A = arith.addf %get3A_20, %broadcast_in_dim3A : vector<1x128xf32>
    %swap3A_22 = arith.constant 0 : index
    %swap3A_23 = arith.constant 0 : index
    %swap3A_24 = vector.load %arg5[%swap3A_22, %swap3A_23] : memref<1x128xf32, #tpu.memory_space<vmem>>, vector<1x128xf32>
    tpu.vector_store %arg5[%swap3A_22, %swap3A_23], %add3A {strides = array<i32>} : memref<1x128xf32, #tpu.memory_space<vmem>>, vector<1x128xf32>,
    %eq3A_25 = arith.constant 49 : i32
    %eq3A_26 = arith.cmpi eq, %arg0, %eq3A_25 : i32
    %convert_element_type3A_27 = arith.extui %eq3A_26 : i1 to i32
    %cond3A_28 = arith.constant 0 : i32
    %cond3A_29 = arith.cmpi ne, %convert_element_type3A_27, %cond3A_28 : i32
    scf.if %cond3A_29 {
      %get3A_30 = arith.constant 0 : index
      %get3A_31 = arith.constant 0 : index
      %get3A_32 = vector.load %arg5[%get3A_30, %get3A_31] : memref<1x128xf32, #tpu.memory_space<vmem>>, vector<1x128xf32>
      %swap3A_33 = arith.constant 0 : index
      %swap3A_34 = arith.constant 0 : index
      %swap3A_35 = vector.load %arg4[%swap3A_33, %swap3A_34] : memref<8x128xf32, #tpu.memory_space<vmem>>, vector<1x128xf32>
      tpu.vector_store %arg4[%swap3A_33, %swap3A_34], %get3A_32 {strides = array<i32>} : memref<8x128xf32, #tpu.memory_space<vmem>>, vector<1x128xf32>,
    } else {
    }
    return
  }
  func.func @transform_0(%arg0: i32) -> (i32, i32) {
    %c0_i32 = arith.constant 0 : i32
    %c0_i32_0 = arith.constant 0 : i32
    return %arg0, %c0_i32 : i32, i32
  }
  func.func @transform_1(%arg0: i32) -> (i32, i32) {
    %c0_i32 = arith.constant 0 : i32
    %c0_i32_0 = arith.constant 0 : i32
    %c0_i32_1 = arith.constant 0 : i32
    return %c0_i32, %c0_i32_0 : i32, i32
  }
  func.func @transform_2(%arg0: i32) -> (i32, i32) {
    %c0_i32 = arith.constant 0 : i32
    %c0_i32_0 = arith.constant 0 : i32
    return %arg0, %c0_i32 : i32, i32
  }
  func.func @transform_3(%arg0: i32) -> (i32, i32) {
    %c0_i32 = arith.constant 0 : i32
    %c0_i32_0 = arith.constant 0 : i32
    %c0_i32_1 = arith.constant 0 : i32
    return %c0_i32, %c0_i32_0 : i32, i32
  }
}

module attributes {stable_mosaic.version = 14 : i64} {
  func.func @_final_body(%arg0: memref<4096x64xf32, #tpu.memory_space<vmem>>, %arg1: memref<64x256xf32, #tpu.memory_space<vmem>>, %arg2: memref<1x256xf32, #tpu.memory_space<vmem>>, %arg3: memref<256x256xf32, #tpu.memory_space<vmem>>, %arg4: memref<1x256xf32, #tpu.memory_space<vmem>>, %arg5: memref<256x64xf32, #tpu.memory_space<vmem>>, %arg6: memref<1x64xf32, #tpu.memory_space<vmem>>, %arg7: memref<256x64xf32, #tpu.memory_space<vmem>>, %arg8: memref<1x64xf32, #tpu.memory_space<vmem>>, %arg9: memref<8192x128xf32, #tpu.memory_space<vmem>>, %arg10: memref<8192x1xf32, #tpu.memory_space<vmem>>, %arg11: memref<8x128xf32, #tpu.memory_space<vmem>>, %arg12: memref<1x1xf32, #tpu.memory_space<smem>>, %arg13: memref<1x1xf32, #tpu.memory_space<smem>>) attributes {dimension_semantics = [], scalar_prefetch = 0 : i64, scratch_operands = 0 : i64, tpu.core_type = #tpu.core_type<tc>} {
    %get3A = arith.constant 0 : index
    %get3A_0 = arith.constant 0 : index
    %get3A_1 = vector.load %arg0[%get3A, %get3A_0] : memref<4096x64xf32, #tpu.memory_space<vmem>>, vector<4096x64xf32>
    %get3A_2 = arith.constant 0 : index
    %get3A_3 = arith.constant 0 : index
    %get3A_4 = vector.load %arg1[%get3A_2, %get3A_3] : memref<64x256xf32, #tpu.memory_space<vmem>>, vector<64x256xf32>
    %dot_general3A = arith.constant dense<0.000000e+00> : vector<4096x256xf32>
    %dot_general3A_5 = tpu.matmul %get3A_1, %get3A_4, %dot_general3A {dimension_numbers = #tpu.dot_dimension_numbers<[1], [0], [0], [1], [0, 0, 1, 1], [], []>, transpose_lhs_hint = false} : vector<4096x64xf32>, vector<64x256xf32>, vector<4096x256xf32> -> vector<4096x256xf32>
    %get3A_6 = arith.constant 0 : index
    %get3A_7 = arith.constant 0 : index
    %get3A_8 = vector.load %arg2[%get3A_6, %get3A_7] : memref<1x256xf32, #tpu.memory_space<vmem>>, vector<1x256xf32>
    %add3A = vector.broadcast %get3A_8 : vector<1x256xf32> to vector<4096x256xf32>
    %add3A_9 = arith.addf %dot_general3A_5, %add3A : vector<4096x256xf32>
    %tanh3A = math.tanh %add3A_9 : vector<4096x256xf32>
    %get3A_10 = arith.constant 0 : index
    %get3A_11 = arith.constant 0 : index
    %get3A_12 = vector.load %arg3[%get3A_10, %get3A_11] : memref<256x256xf32, #tpu.memory_space<vmem>>, vector<256x256xf32>
    %dot_general3A_13 = arith.constant dense<0.000000e+00> : vector<4096x256xf32>
    %dot_general3A_14 = tpu.matmul %tanh3A, %get3A_12, %dot_general3A_13 {dimension_numbers = #tpu.dot_dimension_numbers<[1], [0], [0], [1], [0, 0, 1, 1], [], []>, transpose_lhs_hint = false} : vector<4096x256xf32>, vector<256x256xf32>, vector<4096x256xf32> -> vector<4096x256xf32>
    %get3A_15 = arith.constant 0 : index
    %get3A_16 = arith.constant 0 : index
    %get3A_17 = vector.load %arg4[%get3A_15, %get3A_16] : memref<1x256xf32, #tpu.memory_space<vmem>>, vector<1x256xf32>
    %add3A_18 = vector.broadcast %get3A_17 : vector<1x256xf32> to vector<4096x256xf32>
    %add3A_19 = arith.addf %dot_general3A_14, %add3A_18 : vector<4096x256xf32>
    %tanh3A_20 = math.tanh %add3A_19 : vector<4096x256xf32>
    %get3A_21 = arith.constant 0 : index
    %get3A_22 = arith.constant 0 : index
    %get3A_23 = vector.load %arg5[%get3A_21, %get3A_22] : memref<256x64xf32, #tpu.memory_space<vmem>>, vector<256x64xf32>
    %dot_general3A_24 = arith.constant dense<0.000000e+00> : vector<4096x64xf32>
    %dot_general3A_25 = tpu.matmul %tanh3A_20, %get3A_23, %dot_general3A_24 {dimension_numbers = #tpu.dot_dimension_numbers<[1], [0], [0], [1], [0, 0, 1, 1], [], []>, transpose_lhs_hint = false} : vector<4096x256xf32>, vector<256x64xf32>, vector<4096x64xf32> -> vector<4096x64xf32>
    %get3A_26 = arith.constant 0 : index
    %get3A_27 = arith.constant 0 : index
    %get3A_28 = vector.load %arg6[%get3A_26, %get3A_27] : memref<1x64xf32, #tpu.memory_space<vmem>>, vector<1x64xf32>
    %add3A_29 = vector.broadcast %get3A_28 : vector<1x64xf32> to vector<4096x64xf32>
    %add3A_30 = arith.addf %dot_general3A_25, %add3A_29 : vector<4096x64xf32>
    %get3A_31 = arith.constant 0 : index
    %get3A_32 = arith.constant 0 : index
    %get3A_33 = vector.load %arg7[%get3A_31, %get3A_32] : memref<256x64xf32, #tpu.memory_space<vmem>>, vector<256x64xf32>
    %dot_general3A_34 = arith.constant dense<0.000000e+00> : vector<4096x64xf32>
    %dot_general3A_35 = tpu.matmul %tanh3A_20, %get3A_33, %dot_general3A_34 {dimension_numbers = #tpu.dot_dimension_numbers<[1], [0], [0], [1], [0, 0, 1, 1], [], []>, transpose_lhs_hint = false} : vector<4096x256xf32>, vector<256x64xf32>, vector<4096x64xf32> -> vector<4096x64xf32>
    %get3A_36 = arith.constant 0 : index
    %get3A_37 = arith.constant 0 : index
    %get3A_38 = vector.load %arg8[%get3A_36, %get3A_37] : memref<1x64xf32, #tpu.memory_space<vmem>>, vector<1x64xf32>
    %add3A_39 = vector.broadcast %get3A_38 : vector<1x64xf32> to vector<4096x64xf32>
    %add3A_40 = arith.addf %dot_general3A_35, %add3A_39 : vector<4096x64xf32>
    %add3A_41 = arith.constant 1.000000e+00 : f32
    %add3A_42 = vector.broadcast %add3A_41 : f32 to vector<4096x64xf32>
    %add3A_43 = arith.addf %add3A_42, %add3A_40 : vector<4096x64xf32>
    %mul3A = arith.mulf %add3A_30, %add3A_30 : vector<4096x64xf32>
    %sub3A = arith.subf %add3A_43, %mul3A : vector<4096x64xf32>
    %exp3A = math.exp %add3A_40 : vector<4096x64xf32>
    %sub3A_44 = arith.subf %sub3A, %exp3A : vector<4096x64xf32>
    %reduce_sum3A = arith.constant dense<0.000000e+00> : vector<4096xf32>
    %reduce_sum3A_45 = vector.multi_reduction <add>, %sub3A_44, %reduce_sum3A [1] : vector<4096x64xf32> to vector<4096xf32>
    %broadcast_in_dim3A = vector.shape_cast %reduce_sum3A_45 : vector<4096xf32> to vector<4096x1xf32>
    %reduce_sum3A_46 = vector.shape_cast %broadcast_in_dim3A : vector<4096x1xf32> to vector<1x4096x1xf32>
    %reduce_sum3A_47 = arith.constant dense<0.000000e+00> : vector<1xf32>
    %reduce_sum3A_48 = vector.multi_reduction <add>, %reduce_sum3A_46, %reduce_sum3A_47 [1, 2] : vector<1x4096x1xf32> to vector<1xf32>
    %reduce_sum3A_49 = vector.shape_cast %reduce_sum3A_48 : vector<1xf32> to vector<1x1x1xf32>
    %reduce_sum3A_50 = vector.extract %reduce_sum3A_49[0, 0, 0] : f32 from vector<1x1x1xf32>
    %div3A = arith.constant 4.096000e+03 : f32
    %div3A_51 = arith.divf %reduce_sum3A_50, %div3A : f32
    %mul3A_52 = arith.constant -5.000000e-01 : f32
    %mul3A_53 = arith.mulf %mul3A_52, %div3A_51 : f32
    %reduce_max3A = arith.constant dense<0xFF800000> : vector<4096xf32>
    %reduce_max3A_54 = vector.multi_reduction <maximumf>, %add3A_30, %reduce_max3A [1] : vector<4096x64xf32> to vector<4096xf32>
    %broadcast_in_dim3A_55 = vector.shape_cast %reduce_max3A_54 : vector<4096xf32> to vector<4096x1xf32>
    %sub3A_56 = vector.broadcast %broadcast_in_dim3A_55 : vector<4096x1xf32> to vector<4096x64xf32>
    %sub3A_57 = arith.subf %add3A_30, %sub3A_56 : vector<4096x64xf32>
    %exp3A_58 = math.exp %sub3A_57 : vector<4096x64xf32>
    %reduce_sum3A_59 = arith.constant dense<0.000000e+00> : vector<4096xf32>
    %reduce_sum3A_60 = vector.multi_reduction <add>, %exp3A_58, %reduce_sum3A_59 [1] : vector<4096x64xf32> to vector<4096xf32>
    %broadcast_in_dim3A_61 = vector.shape_cast %reduce_sum3A_60 : vector<4096xf32> to vector<4096x1xf32>
    %div3A_62 = vector.broadcast %broadcast_in_dim3A_61 : vector<4096x1xf32> to vector<4096x64xf32>
    %div3A_63 = arith.divf %exp3A_58, %div3A_62 : vector<4096x64xf32>
    %get3A_64 = arith.constant 0 : index
    %get3A_65 = arith.constant 0 : index
    %get3A_66 = vector.load %arg11[%get3A_64, %get3A_65] : memref<8x128xf32, #tpu.memory_space<vmem>>, vector<1x64xf32>
    %get3A_67 = arith.constant 0 : index
    %get3A_68 = arith.constant 64 : index
    %get3A_69 = vector.load %arg11[%get3A_67, %get3A_68] : memref<8x128xf32, #tpu.memory_space<vmem>>, vector<1x64xf32>
    %add3A_70 = arith.addf %get3A_66, %get3A_69 : vector<1x64xf32>
    %get3A_71 = arith.constant 0 : index
    %get3A_72 = arith.constant 0 : index
    %get3A_73 = vector.load %arg10[%get3A_71, %get3A_72] : memref<8192x1xf32, #tpu.memory_space<vmem>>, vector<8192x1xf32>
    %gt3A = arith.constant 5.000000e-01 : f32
    %gt3A_74 = vector.broadcast %gt3A : f32 to vector<8192x1xf32>
    %gt3A_75 = arith.cmpf ogt, %get3A_73, %gt3A_74 : vector<8192x1xf32>
    %get3A_76 = arith.constant 0 : index
    %get3A_77 = arith.constant 64 : index
    %get3A_78 = vector.load %arg9[%get3A_76, %get3A_77] : memref<8192x128xf32, #tpu.memory_space<vmem>>, vector<8192x64xf32>
    %get3A_79 = arith.constant 0 : index
    %get3A_80 = arith.constant 0 : index
    %get3A_81 = vector.load %arg9[%get3A_79, %get3A_80] : memref<8192x128xf32, #tpu.memory_space<vmem>>, vector<8192x64xf32>
    %broadcast_in_dim3A_82 = vector.shape_cast %gt3A_75 : vector<8192x1xi1> to vector<8192x1xi1>
    %broadcast_in_dim3A_83 = vector.broadcast %broadcast_in_dim3A_82 : vector<8192x1xi1> to vector<8192x64xi1>
    %select_n3A = arith.select %broadcast_in_dim3A_83, %get3A_78, %get3A_81 : vector<8192x64xi1>, vector<8192x64xf32>
    %exp3A_84 = math.exp %select_n3A : vector<8192x64xf32>
    %div3A_85 = vector.broadcast %add3A_70 : vector<1x64xf32> to vector<8192x64xf32>
    %div3A_86 = arith.divf %exp3A_84, %div3A_85 : vector<8192x64xf32>
    %slice3A = vector.extract_strided_slice %div3A_86 {offsets = [0, 0], sizes = [4096, 64], strides = [1, 1]} : vector<8192x64xf32> to vector<4096x64xf32>
    %slice3A_87 = vector.extract_strided_slice %div3A_86 {offsets = [4096, 0], sizes = [4096, 64], strides = [1, 1]} : vector<8192x64xf32> to vector<4096x64xf32>
    %mul3A_88 = arith.mulf %slice3A, %slice3A_87 : vector<4096x64xf32>
    %mul3A_89 = arith.mulf %div3A_63, %div3A_63 : vector<4096x64xf32>
    %mul3A_90 = arith.mulf %mul3A_89, %mul3A_88 : vector<4096x64xf32>
    %reduce_sum3A_91 = arith.constant dense<0.000000e+00> : vector<4096xf32>
    %reduce_sum3A_92 = vector.multi_reduction <add>, %mul3A_90, %reduce_sum3A_91 [1] : vector<4096x64xf32> to vector<4096xf32>
    %broadcast_in_dim3A_93 = vector.shape_cast %reduce_sum3A_92 : vector<4096xf32> to vector<4096x1xf32>
    %add3A_94 = arith.constant 9.99999997E-7 : f32
    %add3A_95 = vector.broadcast %add3A_94 : f32 to vector<4096x1xf32>
    %add3A_96 = arith.addf %broadcast_in_dim3A_93, %add3A_95 : vector<4096x1xf32>
    %log3A = math.log %add3A_96 : vector<4096x1xf32>
    %reduce_sum3A_97 = vector.shape_cast %log3A : vector<4096x1xf32> to vector<1x4096x1xf32>
    %reduce_sum3A_98 = arith.constant dense<0.000000e+00> : vector<1xf32>
    %reduce_sum3A_99 = vector.multi_reduction <add>, %reduce_sum3A_97, %reduce_sum3A_98 [1, 2] : vector<1x4096x1xf32> to vector<1xf32>
    %reduce_sum3A_100 = vector.shape_cast %reduce_sum3A_99 : vector<1xf32> to vector<1x1x1xf32>
    %reduce_sum3A_101 = vector.extract %reduce_sum3A_100[0, 0, 0] : f32 from vector<1x1x1xf32>
    %div3A_102 = arith.constant 4.096000e+03 : f32
    %div3A_103 = arith.divf %reduce_sum3A_101, %div3A_102 : f32
    %swap3A = arith.constant 0 : index
    %swap3A_104 = arith.constant 0 : index
    %swap3A_105 = memref.load %arg12[%swap3A, %swap3A_104] : memref<1x1xf32, #tpu.memory_space<smem>>
    memref.store %div3A_103, %arg12[%swap3A, %swap3A_104] : memref<1x1xf32, #tpu.memory_space<smem>>
    %swap3A_106 = arith.constant 0 : index
    %swap3A_107 = arith.constant 0 : index
    %swap3A_108 = memref.load %arg13[%swap3A_106, %swap3A_107] : memref<1x1xf32, #tpu.memory_space<smem>>
    memref.store %mul3A_53, %arg13[%swap3A_106, %swap3A_107] : memref<1x1xf32, #tpu.memory_space<smem>>
    return
  }
}

</mosaic_0001>

<sc_bundles>
// kernel: kernel.5.cloned.1.call-start
scs
__scs_entry_jumppad:
0x0: {  	(pc) =	sbr.rel $0x88, $3  }
0x1: {  	(tag) =	ssettag $0x0;
	lr =	simm.s32 $0x1  }
0x2: {  	[smem:$0x3F95] =	sst lr;
	_ =	strace $0xD0000000  }
0x3: {  	_ = 	snop  }
0x4: {  	_ = 	snop  }
0x5: {  	_ = 	snop  }
0x6: {  	_ = 	snop  }
0x7: {  	_ = 	snop  }
__scs_overlays_trampoline_lowered:
0x8: {  	[smem:$0x3FA4] =	sst s0  }
0x9: {  	[smem:$0x3FA5] =	sst s1  }
0xa: {  	[smem:$0x3FA6] =	sst s2  }
0xb: {  	[smem:$0x3FA7] =	sst s3  }
0xc: {  	[smem:$0x3FA8] =	sst s4  }
0xd: {  	[smem:$0x3FA9] =	sst s5  }
0xe: {  	[smem:$0x3FAA] =	sst s6  }
0xf: {  	[smem:$0x3FAB] =	sst s7  }
0x10: {  	[smem:$0x3FAC] =	sst s8  }
0x11: {  	[smem:$0x3FAD] =	sst s9;
	s0 =	simm.s32 @!p0 $0x0  }
0x12: {  	s1 =	sld [smem:$0x3F93];
	s0 =	simm.s32 @p0 $0x1  }
0x13: {  	[smem:$0x3FAE] =	sst s0;
	s0 =	simm.s32 @!p1 $0x0  }
0x14: {  	s2 =	sld [smem:$0x3F92];
	s0 =	simm.s32 @p1 $0x1  }
0x15: {  	[smem:$0x3FAF] =	sst s0;
	s0 =	simm.s32 @!p2 $0x0  }
0x16: {  	s3 =	sld [smem:$0x3FDB];
	s0 =	simm.s32 @p2 $0x1  }
0x17: {  	s4 =	simm.s32 $0x1BF5;
	[smem:$0x3FB1] =	sst s0  }
0x18: {  	s0 =	sld [smem:$0x3F94];
	_ =	swait.ge [sflag:s4], $0x0  }
0x19: {  	s7 =	sld [smem:$0x3F95]  }
0x1a: {  	s8 =	sadd.s32 $0xFFFFE003, lr  }
0x1b: {  	s9 =	sadd.s32 $0xFFFFFEF7, lr;
	s5 =	simm.s32 $0xFFFFFFFF;
	p2 =	slt.u32 s8, $0xFFFFF086  }
0x1c: {  	p1 =	slt.u32 s9, $0xF7A;
	s5 =	simm.s32 @!p2 $0x0  }
0x1d: {  	s5 =	simm.s32 @p1 $0x1;
	p0 =	seq.s32 s7, s2  }
0x1e: {  	s7 =	smul.u32 @!p0 $0xF7A, s2;
	p2 =	seq.s32 @!p0 s5, $0x0  }
0x1f: {  	s9 =	smul.u32 $0xF7A, s1;
	s8 =	simm.s32 @!p0 $0x1BF5;
	p2 =	por !p2, p0  }
0x20: {  	[sflag:s8] =	ssyncset.s32 @!p0 $0xFFFFF086;
	s6 =	sadd.s32 @!p0 s3, s7;
	s7 =	simm.s32 @!p0 $0x108  }
0x21: {  	s3 =	sadd.s32 s3, s9;
	s6 =	sadd.s32 @!p0 $0x88, s6;
	s7 =	simm.s32 @p2 $0x1082  }
0x22: {  	[simem:s7], [sflag:s8] =	dma.local @!p0 [hbm:s6], $0xF7A  }
0x23: {  	s9 =	sor.u32 $0xD0000000, s2;
	s6 =	simm.s32 $0x108;
	_ =	swait.ge @!p0 [sflag:s8], $0x0  }
0x24: {  	s3 =	sadd.s32 $0x88, s3;
	s6 =	simm.s32 @!p1 $0x1082;
	[sflag:s4] =	ssyncset.s32 $0xFFFFF086  }
0x25: {  	[simem:s6], [sflag:s4] =	dma.local [hbm:s3], $0xF7A  }
0x26: {  	[smem:$0x3F95] =	sst s1;
	(tag) =	ssettag s2;
	_ =	strace s9  }
0x27: {  	s1 =	sld [smem:$0x3FA5]  }
0x28: {  	s2 =	sld [smem:$0x3FA6]  }
0x29: {  	s4 =	sld [smem:$0x3FA8]  }
0x2a: {  	p0 =	seq.s32 s5, $0x0;
	s5 =	sld [smem:$0x3FA9]  }
0x2b: {  	s6 =	sld [smem:$0x3FAA]  }
0x2c: {  	s7 =	sld [smem:$0x3FAB]  }
0x2d: {  	s3 =	simm.s32 $0x108;
	s8 =	sld [smem:$0x3FAC]  }
0x2e: {  	s3 =	simm.s32 @!p0 $0x1082;
	s9 =	sld [smem:$0x3FAD]  }
0x2f: {  	lr =	sadd.s32 s0, s3;
	s0 =	sld [smem:$0x3FA4]  }
0x30: {  	s3 =	sld [smem:$0x3FA7]  }
0x31: {  	[smem:$0x3FB0] =	sst s10  }
0x32: {  	s10 =	sld [smem:$0x3FAE];
	_ =	sdelay $0x3  }
0x33: {  	p0 =	seq.s32 s10, $0x1;
	s10 =	sld [smem:$0x3FB0];
	_ =	sdelay $0x3  }
0x34: {  	[smem:$0x3FB0] =	sst s10  }
0x35: {  	s10 =	sld [smem:$0x3FAF];
	_ =	sdelay $0x3  }
0x36: {  	p1 =	seq.s32 s10, $0x1;
	s10 =	sld [smem:$0x3FB0];
	_ =	sdelay $0x3  }
0x37: {  	[smem:$0x3FB0] =	sst s10  }
0x38: {  	s10 =	sld [smem:$0x3FB1]  }
0x39: {  	_ = 	snop;
	(pc) =	sbr.ind lr, $3  }
0x3a: {  	_ = 	snop  }
0x3b: {  	_ = 	snop  }
0x3c: {  	p2 =	seq.s32 s10, $0x1;
	s10 =	sld [smem:$0x3FB0]  }
0x3d: {  	_ =	shalt  }
0x3e: {  	_ =	shalt  }
0x3f: {  	_ =	shalt  }
0x40: {  	_ =	shalt  }
0x41: {  	_ =	shalt  }
0x42: {  	_ =	shalt  }
0x43: {  	_ =	shalt  }
0x44: {  	_ =	shalt  }
0x45: {  	_ =	shalt  }
0x46: {  	_ =	shalt  }
0x47: {  	_ =	shalt  }
0x48: {  	_ =	shalt  }
0x49: {  	_ =	shalt  }
0x4a: {  	_ =	shalt  }
0x4b: {  	_ =	shalt  }
0x4c: {  	_ =	shalt  }
0x4d: {  	_ =	shalt  }
0x4e: {  	_ =	shalt  }
0x4f: {  	_ =	shalt  }
0x50: {  	_ =	shalt  }
0x51: {  	_ =	shalt  }
0x52: {  	_ =	shalt  }
0x53: {  	_ =	shalt  }
0x54: {  	_ =	shalt  }
0x55: {  	_ =	shalt  }
0x56: {  	_ =	shalt  }
0x57: {  	_ =	shalt  }
0x58: {  	_ =	shalt  }
0x59: {  	_ =	shalt  }
0x5a: {  	_ =	shalt  }
0x5b: {  	_ =	shalt  }
0x5c: {  	_ =	shalt  }
0x5d: {  	_ =	shalt  }
0x5e: {  	_ =	shalt  }
0x5f: {  	_ =	shalt  }
0x60: {  	_ =	shalt  }
0x61: {  	_ =	shalt  }
0x62: {  	_ =	shalt  }
0x63: {  	_ =	shalt  }
0x64: {  	_ =	shalt  }
0x65: {  	_ =	shalt  }
0x66: {  	_ =	shalt  }
0x67: {  	_ =	shalt  }
0x68: {  	_ =	shalt  }
0x69: {  	_ =	shalt  }
0x6a: {  	_ =	shalt  }
0x6b: {  	_ =	shalt  }
0x6c: {  	_ =	shalt  }
0x6d: {  	_ =	shalt  }
0x6e: {  	_ =	shalt  }
0x6f: {  	_ =	shalt  }
0x70: {  	_ =	shalt  }
0x71: {  	_ =	shalt  }
0x72: {  	_ =	shalt  }
0x73: {  	_ =	shalt  }
0x74: {  	_ =	shalt  }
0x75: {  	_ =	shalt  }
0x76: {  	_ =	shalt  }
0x77: {  	_ =	shalt  }
0x78: {  	_ =	shalt  }
0x79: {  	_ =	shalt  }
0x7a: {  	_ =	shalt  }
0x7b: {  	_ =	shalt  }
0x7c: {  	_ =	shalt  }
0x7d: {  	_ =	shalt  }
0x7e: {  	_ =	shalt  }
0x7f: {  	_ =	shalt  }
0x80: {  	_ =	shalt  }
0x81: {  	_ =	shalt  }
0x82: {  	_ =	shalt  }
0x83: {  	_ =	shalt  }
0x84: {  	_ =	shalt  }
0x85: {  	_ =	shalt  }
0x86: {  	_ =	shalt  }
0x87: {  	_ =	shalt  }
.Lfunc_end0:
.L_simem_size_0:
called_computation_lowered:
.L_overlay_start_0:
0x88: {  	s2 =	sld [smem:$0x3FD9]  }
0x89: {  	s3 =	sld [smem:$0x3FFE];
	_ =	sdelay $0x1  }
0x8a: {  	s1 =	srdreg.scid  }
0x8b: {  	s0 =	sand.u32 $0x1, s1  }
0x8c: {  	s16 =	sshll.u32 s0, $0xA;
	s2 =	sadd.s32 s3, s2  }
0x8d: {  	s2 =	sadd.s32 s2, s16  }
0x8e: {  	[smem:$0x3FBC] =	sst s2  }
0x8f: {  	_ = 	snop  }
0x90: {  	(tm) =	ssettm $0x1  }
0x91: {  	s17 =	sld [smem:$0x3FFB];
	_ =	sdelay $0x3  }
0x92: {  	_ =	strace s17  }
0x93: {  	s2 =	sld [smem:$0x3FFC];
	_ =	sdelay $0x3  }
0x94: {  	_ =	strace s2  }
0x95: {  	s2 =	sld [smem:$0x3FFD];
	_ =	sdelay $0x3  }
0x96: {  	_ =	strace s2  }
0x97: {  	_ =	strace $0x8FFFFFFF  }
0x98: {  	s18 =	sld [smem:$0x3FDB];
	_ =	sdelay $0x1  }
0x99: {  	s19 =	simm.s32 $_scs_section_size  }
0x9a: {  	s4 =	simm.s32 $_size__tile_overlayer_lowered;
	s5 =	simm.s32 $_tile_overlayer_lowered  }
0x9b: {  	s22 =	simm.s32 $0x1BFF;
	s21 =	sshll.u32 s5, $0x1;
	s2 =	sadd.s32 s19, s18  }
0x9c: {  	s6 =	simm.s32 $0x0;
	s20 =	sshll.u32 s4, $0x1;
	s4 =	sadd.s32 s21, s2  }
0x9d: {  	[timem:s6], [sflag:s22] =	dma.local [hbm:s4], s20  }
0x9e: {  	_ =	swait.ge [sflag:s22], s20  }
0x9f: {  	s3 =	ssub.s32 $0x0, s20;
	[sflag:s22] =	ssyncset.done $0x0  }
0xa0: {  	[sflag:s22] =	ssyncadd.s32 s3;
	_ =	sdelay $0x1  }
0xa1: {  	s23 =	simm.s32 $0x1B8B  }
0xa2: {  	_ =	swait.ge [sflag:s23], $0x1  }
0xa3: {  	[sflag:s23] =	ssyncset.done $0x0  }
0xa4: {  	s25 =	simm.s32 $0x1B8E;
	s24 =	sld [smem:$0x3FFE];
	[sflag:s23] =	ssyncadd.s32 $0xFFFFFFFF  }
0xa5: {  	s26 =	simm.s32 $execute0_lowered;
	[smem:$0x3FD2] =	sst s25  }
0xa6: {  	s4 =	sshll.u32 s26, $0x1;
	_ =	strace $0x80000046;
	[dreg:$0x1] =	wrdreg $0xFFFFFFFF  }
0xa7: {  	s28 =	simm.s32 $_size_execute0_lowered;
	s2 =	sadd.s32 s2, s4;
	[dreg:$0x0] =	wrdreg $0x0  }
0xa8: {  	s4 =	sshll.u32 s28, $0x1;
	[dreg:$0x2] =	wrdreg s2  }
0xa9: {  	[dreg:$0x3] =	wrdreg s4  }
0xaa: {  	[dreg:$0x4] =	wrdreg $0xC0  }
0xab: {  	_ =	task [dreg:s6], $0x5FFFF  }
0xac: {  	[dreg:$0x1] =	wrdreg $0xFFFFFFFF  }
0xad: {  	[dreg:$0x0] =	wrdreg $0x60  }
0xae: {  	[dreg:$0x2] =	wrdreg s24  }
0xaf: {  	[dreg:$0x3] =	wrdreg $0x9  }
0xb0: {  	_ =	task.clear_ibuf [dreg:s6], $0x4FFFF;
	_ =	strace $0x90000046  }
0xb1: {  	s29 =	simm.s32 $0x9;
	_ =	strace $0x80000048  }
0xb2: {  	_ =	swait.ge [sflag:s29], $0x1  }
0xb3: {  	[sflag:s29] =	ssyncadd.s32 $0xFFFFFFFF  }
0xb4: {  	_ =	strace $0x90000048  }
0xb5: {  	_ =	sfence  }
0xb6: {  	s30 =	sld [smem:$0x0];
	_ =	sdelay $0x2  }
0xb7: {  	s31 =	sshll.u32 s1, $0xD;
	s1 =	sshrl.u32 s1, $0x2  }
0xb8: {  	s3 =	sand.u32 $0x4000, s31;
	s1 =	sadd.s32 s1, s30  }
0xb9: {  	s0 =	sor.u32 s3, s0;
	s1 =	sshll.u32 s1, $0x11  }
0xba: {  	s0 =	sor.u32 s1, s0  }
0xbb: {  	s0 =	sadd.s32 $0x8F2B, s0  }
0xbc: {  	[sflag:s0] =	ssyncadd.remote.s32 $0x1  }
0xbd: {  	_ =	sfence.sel $0xFFFF  }
0xbe: {  	[dreg:$0x0] =	wrdreg $0xFFFFFFFF;
	(pc) =	sbr.abs _section_cstart, $3  }
0xbf: {  	[dreg:$0x1] =	wrdreg $0xFFFFFFFF  }
0xc0: {  	_ =	task.clear_ibuf [dreg:s6], $0x2FFFF;
	_ =	strace $0x9FFFFFFF  }
0xc1: {  	(tm) =	ssettm $0x7FFFFFFF  }
tec
execute0_lowered:
.L_overlay_start_1:
0x0: {  	(tag) =	ssettag $0x1  }
0x1: {  	s1 =	srdreg.scid  }
0x2: {  	s0 =	stileid.u32;
	s6 =	sand.u32 $0x1, s1  }
0x3: {  	s8 =	rddreg [dreg:$0x0];
	s30 =	sshll.u32 s0, $0x9;
	s2 =	sshll.u32 s6, $0x8  }
0x4: {  	s7 =	simm.s32 $0x1;
	s1 =	rddreg [dreg:$0x1];
	s9 =	sor.u32 s2, s30  }
0x5: {  	s5 =	sadd.s32 $0xF45800, s8;
	s2 =	simm.s32 $0x0;
	s3 =	sshrl.u32 s9, $0x3  }
0x6: {  	s10 =	ssub.s32 $0x2, s6;
	[smem:$0x7FF] =	sst s2;
	s3 =	sadd.s32 s3, s8  }
0x7: {  	_ =	strace $0x80000047;
	s4 =	sadd.s32 $0xF45400, s3;
	s3 =	simm.s32 $0x2  }
0x8: {  	[tilespmem:s2], [sflag:$0x2] =	stream.linear.gather [hbm4b:s4+s2], $0x100, $0x38;
	[tilespmem:$0x8100] =	vst v63  }
0x9: {  	s6 =	simm.s32 $0x100;
	s11 =	sshrl.u32 s10, $0x1;
	_ =	swait.ge [sflag:s3], $0x100  }
0xa: {  	s9 =	sshll.u32 s9, $0x4;
	s31 =	ssub.s32 s10, s11;
	[sflag:s3] =	ssyncset.done $0x0  }
0xb: {  	s8 =	sadd.s32 s9, s8;
	s9 =	smax.u32 s31, $0x1;
	[sflag:s3] =	ssyncadd.s32 $0xFFFFFF00  }
0xc: {  	[tilespmem:s6], [sflag:$0x1] =	stream.indirect.gather [hbm4b:s5+s6], $0x80, s2, s6, $0xb8;
	[tilespmem:$0x8100] =	vst v63  }
0xd: {  	p0 =	sne.s32 s9, $0x1;
	_ =	swait.ge [sflag:s7], $0x8000  }
.Ltmp0:
0xe: {  	[sflag:s7] =	ssyncset.done $0x0;
	(pc) =	sbr.rel @!p0 .LBB2_2-.Ltmp0, $4  }
0xf: {  	s8 =	sadd.s32 $0x3200, s8;
	[sflag:s7] =	ssyncadd.s32 $0xFFFF8000  }
0x10: {  	[hbm4b:s8+s2] =	stream.linear.scatter [tilespmem:s6], [sflag:$0x2], $0x8000, $0x38;
	[tilespmem:$0x8100] =	vst v63  }
0x11: {  	_ =	swait.ge [sflag:s3], $0x8000  }
0x12: {  	s9 =	sadd.s32 $0xFFFFFFFF, s9;
	[sflag:s3] =	ssyncset.done $0x0  }
.LBB2_1:
0x13: {  	p0 =	sne.s32 s9, $0x1;
	s9 =	sadd.s32 $0xFFFFFFFF, s9;
	[sflag:s3] =	ssyncadd.s32 $0xFFFF8000  }
0x14: {  	[tilespmem:s2], [sflag:$0x2] =	stream.linear.gather [hbm4b:s4+s2], $0x100, $0x38;
	[tilespmem:$0x8100] =	vst v63  }
0x15: {  	_ =	swait.ge [sflag:s3], $0x100  }
0x16: {  	[sflag:s3] =	ssyncset.done $0x0  }
0x17: {  	[sflag:s3] =	ssyncadd.s32 $0xFFFFFF00  }
0x18: {  	[tilespmem:s6], [sflag:$0x1] =	stream.indirect.gather [hbm4b:s5+s6], $0x80, s2, s6, $0xb8;
	[tilespmem:$0x8100] =	vst v63  }
0x19: {  	_ =	swait.ge [sflag:s7], $0x8000  }
.Ltmp1:
0x1a: {  	[sflag:s7] =	ssyncset.done $0x0;
	(pc) =	sbr.rel @p0 .LBB2_1-.Ltmp1, $4  }
0x1b: {  	[sflag:s7] =	ssyncadd.s32 $0xFFFF8000  }
0x1c: {  	[hbm4b:s8+s2] =	stream.linear.scatter [tilespmem:s6], [sflag:$0x2], $0x8000, $0x38;
	[tilespmem:$0x8100] =	vst v63  }
0x1d: {  	_ =	swait.ge [sflag:s3], $0x8000  }
0x1e: {  	[sflag:s3] =	ssyncset.done $0x0  }
.LBB2_2:
0x1f: {  	[sflag:s3] =	ssyncadd.s32 $0xFFFF8000  }
0x20: {  	_ =	sfence.sel $0x180000  }
0x21: {  	[bflag:$0x0] =	sbarrier.arrive $0xFFFF  }
0x22: {  	p0 =	sne.s32 s0, $0x0;
	_ =	strace $0x90000047  }
0x23: {  	s0 =	sadd.s32 @!p0 $0x100000, s1;
	[bflag:$0x2] =	sbarrier.arrive $0xFFFF  }
0x24: {  	[sflag:s0] =	ssyncadd.tile.s32 @!p0 $0x1;
	_ =	shalt  }
.Lfunc_end2:
_tile_overlayer_lowered:
.L_overlay_start_2:
0x25: {  	(tag) =	ssettag $0x2  }
0x26: {  	s0 =	rddreg [dreg:$0x0];
	s2 =	stileid.u32  }
0x27: {  	s1 =	rddreg [dreg:$0x1];
	p0 =	sne.s32 s2, $0x0  }
0x28: {  	s3 =	rddreg [dreg:$0x2];
	[bflag:$0x3] =	sbarrier.arrive $0xFFFF;
	s2 =	simm.s32 @!p0 $0x1C02  }
0x29: {  	[timem:s3], [sflag:s2] =	dma.local @!p0 [hbm:s0], s1  }
0x2a: {  	s0 =	simm.s32 @!p0 $0x2  }
0x2b: {  	_ =	swait.ge @!p0 [sflag:s0], s1  }
0x2c: {  	s1 =	ssub.s32 @!p0 $0x0, s1;
	[sflag:s0] =	ssyncset.done @!p0 $0x0  }
0x2d: {  	[sflag:s0] =	ssyncadd.s32 @!p0 s1  }
0x2e: {  	[bflag:$0x3] =	sbarrier.arrive $0xFFFF  }
0x2f: {  	_ =	shalt  }

</sc_bundles>
